<compile_context>
chip_gen: v7x
topology: tpu7x:2x2x1
jax: 0.10.2.dev20260603
libtpu: 0.0.44.dev20260713+nightly
codegen_flags: <defaults>
</compile_context>

<pallas_src>
import functools

import jax
import jax.numpy as jnp
from jax import lax
from jax.experimental import pallas as pl
from jax.experimental.pallas import tpu as pltpu
from jax.experimental.pallas import tpu_sc as plsc

_N_E = 8192
_E_DIM = 256
_BETA = 0.25
_N_TOK = 16384
_T = 256
_NT = _N_TOK // _T
_TS = 512
_NTS = _N_TOK // _TS

_SC_NC = 2
_SC_NS = 16
_SC_NW = _SC_NC * _SC_NS
_B_PER_W = _N_TOK // _SC_NW
_SC_CHUNK = 256


def _recover_body(oh_ref, idx_ref, cnt_ref, ppl_ref):
    i = pl.program_id(0)
    oh = oh_ref[...]
    col = lax.broadcasted_iota(jnp.int32, (_T, _N_E), 1)
    idx_ref[...] = jnp.sum(jnp.where(oh != 0.0, col, 0), axis=1, keepdims=True)

    @pl.when(i == 0)
    def _():
        cnt_ref[...] = jnp.zeros_like(cnt_ref)

    cnt_ref[...] += jnp.sum(oh, axis=0, keepdims=True)

    @pl.when(i == _NT - 1)
    def _():
        e_mean = cnt_ref[...] / jnp.float32(_N_TOK)
        ent = jnp.sum(e_mean * jnp.log(e_mean + 1e-10))
        ppl_ref[...] = jnp.exp(-ent)[None, None]


_recover = pl.pallas_call(
    _recover_body,
    grid=(_NT,),
    in_specs=[pl.BlockSpec((_T, _N_E), lambda i: (i, 0))],
    out_specs=[
        pl.BlockSpec((_T, 1), lambda i: (i, 0)),
        pl.BlockSpec((1, _N_E), lambda i: (0, 0)),
        pl.BlockSpec((1, 1), lambda i: (0, 0)),
    ],
    out_shape=[
        jax.ShapeDtypeStruct((_N_TOK, 1), jnp.int32),
        jax.ShapeDtypeStruct((1, _N_E), jnp.float32),
        jax.ShapeDtypeStruct((1, 1), jnp.float32),
    ],
)


def _sc_gather(embedding, idx_flat):
    mesh = plsc.VectorSubcoreMesh(core_axis_name="c", subcore_axis_name="s")

    @functools.partial(
        pl.kernel,
        mesh=mesh,
        out_type=jax.ShapeDtypeStruct((_N_TOK, _E_DIM), jnp.float32),
        scratch_types=[
            pltpu.VMEM((_SC_CHUNK,), jnp.int32),
            pltpu.VMEM((_SC_CHUNK, _E_DIM), jnp.float32),
            pltpu.SemaphoreType.DMA,
        ],
    )
    def k(emb_hbm, idx_hbm, out_hbm, idx_v, rows_v, sem):
        wid = lax.axis_index("s") * _SC_NC + lax.axis_index("c")
        base = wid * _B_PER_W

        @pl.loop(0, _B_PER_W, step=_SC_CHUNK)
        def _(off):
            pltpu.sync_copy(idx_hbm.at[pl.ds(base + off, _SC_CHUNK)], idx_v)
            pltpu.async_copy(emb_hbm.at[idx_v], rows_v, sem).wait()
            pltpu.sync_copy(rows_v, out_hbm.at[pl.ds(base + off, _SC_CHUNK)])

    return k(embedding, idx_flat)


def _st_loss_body(z_ref, zq_ref, st_ref, loss_ref):
    i = pl.program_id(0)
    zt = z_ref[...]
    zq = zq_ref[...]
    st_ref[...] = zt + (zq - zt)

    @pl.when(i == 0)
    def _():
        loss_ref[...] = jnp.zeros_like(loss_ref)

    diff = zq - zt
    loss_ref[...] += jnp.sum(diff * diff)[None, None]

    @pl.when(i == _NTS - 1)
    def _():
        m = loss_ref[...] / jnp.float32(_N_TOK * _E_DIM)
        loss_ref[...] = m + jnp.float32(_BETA) * m


_st_loss = pl.pallas_call(
    _st_loss_body,
    grid=(_NTS,),
    in_specs=[
        pl.BlockSpec((_TS, _E_DIM), lambda i: (i, 0)),
        pl.BlockSpec((_TS, _E_DIM), lambda i: (i, 0)),
    ],
    out_specs=[
        pl.BlockSpec((_TS, _E_DIM), lambda i: (i, 0)),
        pl.BlockSpec((1, 1), lambda i: (0, 0)),
    ],
    out_shape=[
        jax.ShapeDtypeStruct((_N_TOK, _E_DIM), jnp.float32),
        jax.ShapeDtypeStruct((1, 1), jnp.float32),
    ],
)


def kernel(z, embedding):
    z_flattened = z.reshape(-1, _E_DIM)
    d = (jnp.sum(z_flattened ** 2, axis=1, keepdims=True)
         + jnp.sum(embedding ** 2, axis=1)
         - 2.0 * jnp.matmul(z_flattened, embedding.T))
    min_encoding_indices = jnp.argmin(d, axis=1)[:, None]
    n_tok = min_encoding_indices.shape[0]
    min_encodings = (min_encoding_indices
                     == jnp.arange(_N_E, dtype=jnp.int32)[None, :]
                     ).astype(z.dtype)
    idx_rec, _cnt, ppl11 = _recover(min_encodings)
    z_q_flat = _sc_gather(embedding, idx_rec.reshape(-1))
    st_flat, loss11 = _st_loss(z_flattened, z_q_flat)
    return (loss11[0, 0], st_flat.reshape(z.shape), ppl11[0, 0],
            min_encodings, min_encoding_indices)

# --- scband reference (transcript-rebuilt; emitter-appended) ---
"""Pipeline reference for scband-vector-quantizer-86964497809534 (READ-ONLY COPY).

The authoritative reference and input builder live on the scoring server;
editing this copy changes nothing except your own understanding.
"""

import jax, jax.numpy as jnp
import numpy as np

N_E = 8192
E_DIM = 256
BETA = 0.25

def setup_inputs(seed: int = 0) -> dict:
    key = jax.random.key(seed)
    k1, k2 = jax.random.split(key)
    z = jax.random.normal(k1, (16, 32, 32, E_DIM), dtype=jnp.float32)
    embedding = jax.random.uniform(k2, (N_E, E_DIM), dtype=jnp.float32, minval=-1.0 / N_E, maxval=1.0 / N_E)
    return {"z": z, "embedding": embedding}

def reference(z, embedding):
    z_flattened = z.reshape(-1, E_DIM)
    d = (jnp.sum(z_flattened ** 2, axis=1, keepdims=True)
         + jnp.sum(embedding ** 2, axis=1)
         - 2.0 * jnp.matmul(z_flattened, embedding.T))
    min_encoding_indices = jnp.argmin(d, axis=1)[:, None]
    n_tok = min_encoding_indices.shape[0]
    min_encodings = jnp.zeros((n_tok, N_E), dtype=z.dtype).at[jnp.arange(n_tok), min_encoding_indices[:, 0]].set(1.0)
    z_q = jnp.matmul(min_encodings, embedding).reshape(z.shape)
    vq_loss = jnp.mean((jax.lax.stop_gradient(z_q) - z) ** 2)
    commitment_loss = BETA * jnp.mean((z_q - jax.lax.stop_gradient(z)) ** 2)
    loss = vq_loss + commitment_loss
    z_q_st = z + jax.lax.stop_gradient(z_q - z)
    e_mean = jnp.mean(min_encodings, axis=0)
    perplexity = jnp.exp(-jnp.sum(e_mean * jnp.log(e_mean + 1e-10)))
    return (loss, z_q_st, perplexity, min_encodings, min_encoding_indices)

if __name__ == "__main__":
    import jax
    _d = setup_inputs()
    print(jax.jit(kernel)(*tuple(_d.values())))

</pallas_src>

<mosaic_0001>
#map = affine_map<(d0, d1) -> (0, 0)>
#map1 = affine_map<(d0, d1) -> (0)>
module attributes {stable_mosaic.version = 14 : i64} {
  func.func @k(%arg0: i32, %arg1: i32, %arg2: memref<8192x256xf32, #tpu.memory_space<hbm>>, %arg3: memref<16384xi32, #tpu.memory_space<hbm>>, %arg4: memref<16384x256xf32, #tpu.memory_space<hbm>>, %arg5: memref<256xi32, #tpu.memory_space<vmem>>, %arg6: memref<256x256xf32, #tpu.memory_space<vmem>>, %arg7: memref<!tpu.dma_semaphore, #tpu.memory_space<semaphore_mem>>) attributes {dimension_semantics = [#tpu.dimension_semantics<core_parallel>, #tpu.dimension_semantics<subcore_parallel>], iteration_bounds = array<i64: 2, 16>, scalar_prefetch = 0 : i64, scratch_operands = 3 : i64, tpu.core_type = #tpu.core_type<sc_vector_subcore>, window_params = [{transform_indices = #map}, {transform_indices = #map1}, {transform_indices = #map}]} {
    %mul3A = arith.constant 2 : i32
    %mul3A_0 = arith.muli %arg1, %mul3A : i32
    %add3A = arith.addi %mul3A_0, %arg0 : i32
    %mul3A_1 = arith.constant 512 : i32
    %mul3A_2 = arith.muli %add3A, %mul3A_1 : i32
    %scan3A = arith.constant 0 : i32
    %scan3A_3 = arith.constant 2 : i32
    %scan3A_4 = arith.addi %scan3A, %scan3A_3 : i32
    %scan3A_5 = arith.constant 1 : i32
    scf.for %scan3A_7 = %scan3A to %scan3A_4 step %scan3A_5  : i32 {
      %mul3A_8 = arith.constant 256 : i32
      %mul3A_9 = arith.muli %scan3A_7, %mul3A_8 : i32
      %add3A_10 = arith.constant 0 : i32
      %add3A_11 = arith.addi %add3A_10, %mul3A_9 : i32
      %add3A_12 = arith.addi %mul3A_2, %add3A_11 : i32
      "tpu.region"() ({
        %run_scoped3A = tpu.sem_alloc : memref<!tpu.dma_semaphore, #tpu.memory_space<semaphore_mem>>
        %dma_start3A_18 = tpu.memref_slice %arg3[%add3A_12] : memref<16384xi32, #tpu.memory_space<hbm>> -> memref<256xi32, #tpu.memory_space<hbm>>
        %dma_start3A_19 = tpu.memref_slice %arg3[%add3A_12] : memref<16384xi32, #tpu.memory_space<hbm>> -> memref<256xi32, #tpu.memory_space<hbm>>
        tpu.enqueue_dma source(%dma_start3A_19 : memref<256xi32, #tpu.memory_space<hbm>>) target(%arg5 : memref<256xi32, #tpu.memory_space<vmem>>) target_semaphore(%run_scoped3A : memref<!tpu.dma_semaphore, #tpu.memory_space<semaphore_mem>>)
        %dma_wait3A_20 = tpu.memref_slice %arg3[%add3A_12] : memref<16384xi32, #tpu.memory_space<hbm>> -> memref<256xi32, #tpu.memory_space<hbm>>
        %dma_wait3A_21 = tpu.memref_slice %arg3[%add3A_12] : memref<16384xi32, #tpu.memory_space<hbm>> -> memref<256xi32, #tpu.memory_space<hbm>>
        tpu.wait_dma2 semaphore(%run_scoped3A : memref<!tpu.dma_semaphore, #tpu.memory_space<semaphore_mem>>) src(%dma_wait3A_21 : memref<256xi32, #tpu.memory_space<hbm>>) dst(%arg5 : memref<256xi32, #tpu.memory_space<vmem>>)
        tpu.yield
      }) : () -> ()
      %dma_start3A = arith.constant 0 : i32
      %dma_start3A_13 = arith.constant 0 : i32
      %dma_start3A_14 = tpu.memref_slice %arg2[%dma_start3A, %dma_start3A_13] : memref<8192x256xf32, #tpu.memory_space<hbm>> -> memref<8192x256xf32, #tpu.memory_space<hbm>>
      tpu.enqueue_indirect_dma source(%dma_start3A_14 : memref<8192x256xf32, #tpu.memory_space<hbm>>) target(%arg6 : memref<256x256xf32, #tpu.memory_space<vmem>>) offsets(%arg5 : memref<256xi32, #tpu.memory_space<vmem>>) semaphore(%arg7 : memref<!tpu.dma_semaphore, #tpu.memory_space<semaphore_mem>>)
      %dma_wait3A = arith.constant 0 : i32
      %dma_wait3A_15 = arith.constant 0 : i32
      %dma_wait3A_16 = tpu.memref_slice %arg2[%dma_wait3A, %dma_wait3A_15] : memref<8192x256xf32, #tpu.memory_space<hbm>> -> memref<8192x256xf32, #tpu.memory_space<hbm>>
      tpu.wait_indirect_dma semaphore(%arg7 : memref<!tpu.dma_semaphore, #tpu.memory_space<semaphore_mem>>) src(%dma_wait3A_16 : memref<8192x256xf32, #tpu.memory_space<hbm>>) dst(%arg6 : memref<256x256xf32, #tpu.memory_space<vmem>>)
      %add3A_17 = arith.addi %mul3A_2, %add3A_11 : i32
      "tpu.region"() ({
        %run_scoped3A = tpu.sem_alloc : memref<!tpu.dma_semaphore, #tpu.memory_space<semaphore_mem>>
        %dma_start3A_18 = arith.constant 0 : i32
        %dma_start3A_19 = tpu.memref_slice %arg4[%add3A_17, %dma_start3A_18] : memref<16384x256xf32, #tpu.memory_space<hbm>> -> memref<256x256xf32, #tpu.memory_space<hbm>>
        %dma_start3A_20 = arith.constant 0 : i32
        %dma_start3A_21 = tpu.memref_slice %arg4[%add3A_17, %dma_start3A_20] : memref<16384x256xf32, #tpu.memory_space<hbm>> -> memref<256x256xf32, #tpu.memory_space<hbm>>
        tpu.enqueue_dma source(%arg6 : memref<256x256xf32, #tpu.memory_space<vmem>>) target(%dma_start3A_21 : memref<256x256xf32, #tpu.memory_space<hbm>>) target_semaphore(%run_scoped3A : memref<!tpu.dma_semaphore, #tpu.memory_space<semaphore_mem>>)
        %dma_wait3A_22 = arith.constant 0 : i32
        %dma_wait3A_23 = tpu.memref_slice %arg4[%add3A_17, %dma_wait3A_22] : memref<16384x256xf32, #tpu.memory_space<hbm>> -> memref<256x256xf32, #tpu.memory_space<hbm>>
        %dma_wait3A_24 = arith.constant 0 : i32
        %dma_wait3A_25 = tpu.memref_slice %arg4[%add3A_17, %dma_wait3A_24] : memref<16384x256xf32, #tpu.memory_space<hbm>> -> memref<256x256xf32, #tpu.memory_space<hbm>>
        tpu.wait_dma2 semaphore(%run_scoped3A : memref<!tpu.dma_semaphore, #tpu.memory_space<semaphore_mem>>) src(%arg6 : memref<256x256xf32, #tpu.memory_space<vmem>>) dst(%dma_wait3A_25 : memref<256x256xf32, #tpu.memory_space<hbm>>)
        tpu.yield
      }) : () -> ()
    }
    %scan3A_6 = arith.constant 2 : i32
    return
  }
}

module attributes {stable_mosaic.version = 14 : i64} {
  func.func @_recover_body(%arg0: i32, %arg1: memref<256x8192xf32, #tpu.memory_space<vmem>>, %arg2: memref<256x1xi32, #tpu.memory_space<vmem>>, %arg3: memref<1x8192xf32, #tpu.memory_space<vmem>>, %arg4: memref<1x1xf32, #tpu.memory_space<vmem>>) attributes {dimension_semantics = [#tpu.dimension_semantics<arbitrary>], iteration_bounds = array<i64: 64>, scalar_prefetch = 0 : i64, scratch_operands = 0 : i64, tpu.core_type = #tpu.core_type<tc>, window_params = [{transform_indices = @transform_0, window_bounds = array<i64: 256, 8192>}, {transform_indices = @transform_1, window_bounds = array<i64: 256, 1>}, {pipeline_mode = #tpu.pipeline_mode<synchronous>, transform_indices = @transform_2, window_bounds = array<i64: 1, 8192>}, {pipeline_mode = #tpu.pipeline_mode<synchronous>, transform_indices = @transform_3, window_bounds = array<i64: 1, 1>}]} {
    %get3A = arith.constant 0 : index
    %get3A_0 = arith.constant 0 : index
    %get3A_1 = vector.load %arg1[%get3A, %get3A_0] : memref<256x8192xf32, #tpu.memory_space<vmem>>, vector<256x8192xf32>
    %iota3A = tpu.iota {dimensions = array<i32: 1>} : vector<256x8192xi32>
    %ne3A = arith.constant 0.000000e+00 : f32
    %ne3A_2 = vector.broadcast %ne3A : f32 to vector<256x8192xf32>
    %ne3A_3 = arith.cmpf one, %get3A_1, %ne3A_2 : vector<256x8192xf32>
    %jit3A = arith.constant 0 : i32
    %broadcast_in_dim3A = vector.broadcast %jit3A : i32 to vector<256x8192xi32>
    %select_n3A = arith.select %ne3A_3, %iota3A, %broadcast_in_dim3A : vector<256x8192xi1>, vector<256x8192xi32>
    %reduce_sum3A = arith.constant dense<0> : vector<256xi32>
    %reduce_sum3A_4 = vector.multi_reduction <add>, %select_n3A, %reduce_sum3A [1] : vector<256x8192xi32> to vector<256xi32>
    %broadcast_in_dim3A_5 = vector.shape_cast %reduce_sum3A_4 : vector<256xi32> to vector<256x1xi32>
    %swap3A = arith.constant 0 : index
    %swap3A_6 = arith.constant 0 : index
    %swap3A_7 = vector.load %arg2[%swap3A, %swap3A_6] : memref<256x1xi32, #tpu.memory_space<vmem>>, vector<256x1xi32>
    tpu.vector_store %arg2[%swap3A, %swap3A_6], %broadcast_in_dim3A_5 {strides = array<i32>} : memref<256x1xi32, #tpu.memory_space<vmem>>, vector<256x1xi32>,
    %eq3A = arith.constant 0 : i32
    %eq3A_8 = arith.cmpi eq, %arg0, %eq3A : i32
    %convert_element_type3A = arith.extui %eq3A_8 : i1 to i32
    %cond3A = arith.constant 0 : i32
    %cond3A_9 = arith.cmpi ne, %convert_element_type3A, %cond3A : i32
    scf.if %cond3A_9 {
      %broadcast_in_dim3A_24 = arith.constant 0.000000e+00 : f32
      %broadcast_in_dim3A_25 = vector.broadcast %broadcast_in_dim3A_24 : f32 to vector<1x8192xf32>
      %swap3A_26 = arith.constant 0 : index
      %swap3A_27 = arith.constant 0 : index
      %swap3A_28 = vector.load %arg3[%swap3A_26, %swap3A_27] : memref<1x8192xf32, #tpu.memory_space<vmem>>, vector<1x8192xf32>
      tpu.vector_store %arg3[%swap3A_26, %swap3A_27], %broadcast_in_dim3A_25 {strides = array<i32>} : memref<1x8192xf32, #tpu.memory_space<vmem>>, vector<1x8192xf32>,
    } else {
    }
    %get3A_10 = arith.constant 0 : index
    %get3A_11 = arith.constant 0 : index
    %get3A_12 = vector.load %arg3[%get3A_10, %get3A_11] : memref<1x8192xf32, #tpu.memory_space<vmem>>, vector<1x8192xf32>
    %reduce_sum3A_13 = arith.constant dense<0.000000e+00> : vector<8192xf32>
    %reduce_sum3A_14 = vector.multi_reduction <add>, %get3A_1, %reduce_sum3A_13 [0] : vector<256x8192xf32> to vector<8192xf32>
    %broadcast_in_dim3A_15 = vector.shape_cast %reduce_sum3A_14 : vector<8192xf32> to vector<1x8192xf32>
    %add3A = arith.addf %get3A_12, %broadcast_in_dim3A_15 : vector<1x8192xf32>
    %swap3A_16 = arith.constant 0 : index
    %swap3A_17 = arith.constant 0 : index
    %swap3A_18 = vector.load %arg3[%swap3A_16, %swap3A_17] : memref<1x8192xf32, #tpu.memory_space<vmem>>, vector<1x8192xf32>
    tpu.vector_store %arg3[%swap3A_16, %swap3A_17], %add3A {strides = array<i32>} : memref<1x8192xf32, #tpu.memory_space<vmem>>, vector<1x8192xf32>,
    %eq3A_19 = arith.constant 63 : i32
    %eq3A_20 = arith.cmpi eq, %arg0, %eq3A_19 : i32
    %convert_element_type3A_21 = arith.extui %eq3A_20 : i1 to i32
    %cond3A_22 = arith.constant 0 : i32
    %cond3A_23 = arith.cmpi ne, %convert_element_type3A_21, %cond3A_22 : i32
    scf.if %cond3A_23 {
      %get3A_24 = arith.constant 0 : index
      %get3A_25 = arith.constant 0 : index
      %get3A_26 = vector.load %arg3[%get3A_24, %get3A_25] : memref<1x8192xf32, #tpu.memory_space<vmem>>, vector<1x8192xf32>
      %div3A = arith.constant 1.638400e+04 : f32
      %div3A_27 = vector.broadcast %div3A : f32 to vector<1x8192xf32>
      %div3A_28 = arith.divf %get3A_26, %div3A_27 : vector<1x8192xf32>
      %add3A_29 = arith.constant 1.000000e-10 : f32
      %add3A_30 = vector.broadcast %add3A_29 : f32 to vector<1x8192xf32>
      %add3A_31 = arith.addf %div3A_28, %add3A_30 : vector<1x8192xf32>
      %log3A = math.log %add3A_31 : vector<1x8192xf32>
      %mul3A = arith.mulf %div3A_28, %log3A : vector<1x8192xf32>
      %reduce_sum3A_32 = vector.shape_cast %mul3A : vector<1x8192xf32> to vector<1x1x8192xf32>
      %reduce_sum3A_33 = arith.constant dense<0.000000e+00> : vector<1xf32>
      %reduce_sum3A_34 = vector.multi_reduction <add>, %reduce_sum3A_32, %reduce_sum3A_33 [1, 2] : vector<1x1x8192xf32> to vector<1xf32>
      %reduce_sum3A_35 = vector.shape_cast %reduce_sum3A_34 : vector<1xf32> to vector<1x1x1xf32>
      %reduce_sum3A_36 = vector.extract %reduce_sum3A_35[0, 0, 0] : f32 from vector<1x1x1xf32>
      %neg3A = arith.constant 0.000000e+00 : f32
      %neg3A_37 = arith.subf %neg3A, %reduce_sum3A_36 : f32
      %exp3A = math.exp %neg3A_37 : f32
      %broadcast_in_dim3A_38 = vector.broadcast %exp3A : f32 to vector<1x1xf32>
      %swap3A_39 = arith.constant 0 : index
      %swap3A_40 = arith.constant 0 : index
      %swap3A_41 = vector.load %arg4[%swap3A_39, %swap3A_40] : memref<1x1xf32, #tpu.memory_space<vmem>>, vector<1x1xf32>
      tpu.vector_store %arg4[%swap3A_39, %swap3A_40], %broadcast_in_dim3A_38 {strides = array<i32>} : memref<1x1xf32, #tpu.memory_space<vmem>>, vector<1x1xf32>,
    } else {
    }
    return
  }
  func.func @transform_0(%arg0: i32) -> (i32, i32) {
    %c0_i32 = arith.constant 0 : i32
    %c0_i32_0 = arith.constant 0 : i32
    return %arg0, %c0_i32 : i32, i32
  }
  func.func @transform_1(%arg0: i32) -> (i32, i32) {
    %c0_i32 = arith.constant 0 : i32
    %c0_i32_0 = arith.constant 0 : i32
    return %arg0, %c0_i32 : i32, i32
  }
  func.func @transform_2(%arg0: i32) -> (i32, i32) {
    %c0_i32 = arith.constant 0 : i32
    %c0_i32_0 = arith.constant 0 : i32
    %c0_i32_1 = arith.constant 0 : i32
    return %c0_i32, %c0_i32_0 : i32, i32
  }
  func.func @transform_3(%arg0: i32) -> (i32, i32) {
    %c0_i32 = arith.constant 0 : i32
    %c0_i32_0 = arith.constant 0 : i32
    %c0_i32_1 = arith.constant 0 : i32
    return %c0_i32, %c0_i32_0 : i32, i32
  }
}

module attributes {stable_mosaic.version = 14 : i64} {
  func.func @_st_loss_body(%arg0: i32, %arg1: memref<512x256xf32, #tpu.memory_space<vmem>>, %arg2: memref<512x256xf32, #tpu.memory_space<vmem>>, %arg3: memref<512x256xf32, #tpu.memory_space<vmem>>, %arg4: memref<1x1xf32, #tpu.memory_space<vmem>>) attributes {dimension_semantics = [#tpu.dimension_semantics<arbitrary>], iteration_bounds = array<i64: 32>, scalar_prefetch = 0 : i64, scratch_operands = 0 : i64, tpu.core_type = #tpu.core_type<tc>, window_params = [{transform_indices = @transform_0, window_bounds = array<i64: 512, 256>}, {transform_indices = @transform_1, window_bounds = array<i64: 512, 256>}, {transform_indices = @transform_2, window_bounds = array<i64: 512, 256>}, {pipeline_mode = #tpu.pipeline_mode<synchronous>, transform_indices = @transform_3, window_bounds = array<i64: 1, 1>}]} {
    %get3A = arith.constant 0 : index
    %get3A_0 = arith.constant 0 : index
    %get3A_1 = vector.load %arg1[%get3A, %get3A_0] : memref<512x256xf32, #tpu.memory_space<vmem>>, vector<512x256xf32>
    %get3A_2 = arith.constant 0 : index
    %get3A_3 = arith.constant 0 : index
    %get3A_4 = vector.load %arg2[%get3A_2, %get3A_3] : memref<512x256xf32, #tpu.memory_space<vmem>>, vector<512x256xf32>
    %sub3A = arith.subf %get3A_4, %get3A_1 : vector<512x256xf32>
    %add3A = arith.addf %get3A_1, %sub3A : vector<512x256xf32>
    %swap3A = arith.constant 0 : index
    %swap3A_5 = arith.constant 0 : index
    %swap3A_6 = vector.load %arg3[%swap3A, %swap3A_5] : memref<512x256xf32, #tpu.memory_space<vmem>>, vector<512x256xf32>
    tpu.vector_store %arg3[%swap3A, %swap3A_5], %add3A {strides = array<i32>} : memref<512x256xf32, #tpu.memory_space<vmem>>, vector<512x256xf32>,
    %eq3A = arith.constant 0 : i32
    %eq3A_7 = arith.cmpi eq, %arg0, %eq3A : i32
    %convert_element_type3A = arith.extui %eq3A_7 : i1 to i32
    %cond3A = arith.constant 0 : i32
    %cond3A_8 = arith.cmpi ne, %convert_element_type3A, %cond3A : i32
    scf.if %cond3A_8 {
      %broadcast_in_dim3A_26 = arith.constant 0.000000e+00 : f32
      %broadcast_in_dim3A_27 = vector.broadcast %broadcast_in_dim3A_26 : f32 to vector<1x1xf32>
      %swap3A_28 = arith.constant 0 : index
      %swap3A_29 = arith.constant 0 : index
      %swap3A_30 = vector.load %arg4[%swap3A_28, %swap3A_29] : memref<1x1xf32, #tpu.memory_space<vmem>>, vector<1x1xf32>
      tpu.vector_store %arg4[%swap3A_28, %swap3A_29], %broadcast_in_dim3A_27 {strides = array<i32>} : memref<1x1xf32, #tpu.memory_space<vmem>>, vector<1x1xf32>,
    } else {
    }
    %sub3A_9 = arith.subf %get3A_4, %get3A_1 : vector<512x256xf32>
    %get3A_10 = arith.constant 0 : index
    %get3A_11 = arith.constant 0 : index
    %get3A_12 = vector.load %arg4[%get3A_10, %get3A_11] : memref<1x1xf32, #tpu.memory_space<vmem>>, vector<1x1xf32>
    %mul3A = arith.mulf %sub3A_9, %sub3A_9 : vector<512x256xf32>
    %reduce_sum3A = vector.shape_cast %mul3A : vector<512x256xf32> to vector<1x512x256xf32>
    %reduce_sum3A_13 = arith.constant dense<0.000000e+00> : vector<1xf32>
    %reduce_sum3A_14 = vector.multi_reduction <add>, %reduce_sum3A, %reduce_sum3A_13 [1, 2] : vector<1x512x256xf32> to vector<1xf32>
    %reduce_sum3A_15 = vector.shape_cast %reduce_sum3A_14 : vector<1xf32> to vector<1x1x1xf32>
    %reduce_sum3A_16 = vector.extract %reduce_sum3A_15[0, 0, 0] : f32 from vector<1x1x1xf32>
    %broadcast_in_dim3A = vector.broadcast %reduce_sum3A_16 : f32 to vector<1x1xf32>
    %add3A_17 = arith.addf %get3A_12, %broadcast_in_dim3A : vector<1x1xf32>
    %swap3A_18 = arith.constant 0 : index
    %swap3A_19 = arith.constant 0 : index
    %swap3A_20 = vector.load %arg4[%swap3A_18, %swap3A_19] : memref<1x1xf32, #tpu.memory_space<vmem>>, vector<1x1xf32>
    tpu.vector_store %arg4[%swap3A_18, %swap3A_19], %add3A_17 {strides = array<i32>} : memref<1x1xf32, #tpu.memory_space<vmem>>, vector<1x1xf32>,
    %eq3A_21 = arith.constant 31 : i32
    %eq3A_22 = arith.cmpi eq, %arg0, %eq3A_21 : i32
    %convert_element_type3A_23 = arith.extui %eq3A_22 : i1 to i32
    %cond3A_24 = arith.constant 0 : i32
    %cond3A_25 = arith.cmpi ne, %convert_element_type3A_23, %cond3A_24 : i32
    scf.if %cond3A_25 {
      %get3A_26 = arith.constant 0 : index
      %get3A_27 = arith.constant 0 : index
      %get3A_28 = vector.load %arg4[%get3A_26, %get3A_27] : memref<1x1xf32, #tpu.memory_space<vmem>>, vector<1x1xf32>
      %div3A = arith.constant 0x4A800000 : f32
      %div3A_29 = vector.broadcast %div3A : f32 to vector<1x1xf32>
      %div3A_30 = arith.divf %get3A_28, %div3A_29 : vector<1x1xf32>
      %mul3A_31 = arith.constant 2.500000e-01 : f32
      %mul3A_32 = vector.broadcast %mul3A_31 : f32 to vector<1x1xf32>
      %mul3A_33 = arith.mulf %mul3A_32, %div3A_30 : vector<1x1xf32>
      %add3A_34 = arith.addf %div3A_30, %mul3A_33 : vector<1x1xf32>
      %swap3A_35 = arith.constant 0 : index
      %swap3A_36 = arith.constant 0 : index
      %swap3A_37 = vector.load %arg4[%swap3A_35, %swap3A_36] : memref<1x1xf32, #tpu.memory_space<vmem>>, vector<1x1xf32>
      tpu.vector_store %arg4[%swap3A_35, %swap3A_36], %add3A_34 {strides = array<i32>} : memref<1x1xf32, #tpu.memory_space<vmem>>, vector<1x1xf32>,
    } else {
    }
    return
  }
  func.func @transform_0(%arg0: i32) -> (i32, i32) {
    %c0_i32 = arith.constant 0 : i32
    %c0_i32_0 = arith.constant 0 : i32
    return %arg0, %c0_i32 : i32, i32
  }
  func.func @transform_1(%arg0: i32) -> (i32, i32) {
    %c0_i32 = arith.constant 0 : i32
    %c0_i32_0 = arith.constant 0 : i32
    return %arg0, %c0_i32 : i32, i32
  }
  func.func @transform_2(%arg0: i32) -> (i32, i32) {
    %c0_i32 = arith.constant 0 : i32
    %c0_i32_0 = arith.constant 0 : i32
    return %arg0, %c0_i32 : i32, i32
  }
  func.func @transform_3(%arg0: i32) -> (i32, i32) {
    %c0_i32 = arith.constant 0 : i32
    %c0_i32_0 = arith.constant 0 : i32
    %c0_i32_1 = arith.constant 0 : i32
    return %c0_i32, %c0_i32_0 : i32, i32
  }
}

</mosaic_0001>

<sc_bundles>
// kernel: kernel.5.cloned.1.call-start
scs
__scs_entry_jumppad:
0x0: {  	(pc) =	sbr.rel $0x88, $3  }
0x1: {  	(tag) =	ssettag $0x0;
	lr =	simm.s32 $0x1  }
0x2: {  	[smem:$0x3F9F] =	sst lr;
	_ =	strace $0xD0000000  }
0x3: {  	_ = 	snop  }
0x4: {  	_ = 	snop  }
0x5: {  	_ = 	snop  }
0x6: {  	_ = 	snop  }
0x7: {  	_ = 	snop  }
__scs_overlays_trampoline_lowered:
0x8: {  	[smem:$0x3FAE] =	sst s0  }
0x9: {  	[smem:$0x3FAF] =	sst s1  }
0xa: {  	[smem:$0x3FB0] =	sst s2  }
0xb: {  	[smem:$0x3FB1] =	sst s3  }
0xc: {  	[smem:$0x3FB2] =	sst s4  }
0xd: {  	[smem:$0x3FB3] =	sst s5  }
0xe: {  	[smem:$0x3FB4] =	sst s6  }
0xf: {  	[smem:$0x3FB5] =	sst s7  }
0x10: {  	[smem:$0x3FB6] =	sst s8  }
0x11: {  	[smem:$0x3FB7] =	sst s9;
	s0 =	simm.s32 @!p0 $0x0  }
0x12: {  	s1 =	sld [smem:$0x3F9D];
	s0 =	simm.s32 @p0 $0x1  }
0x13: {  	[smem:$0x3FB8] =	sst s0;
	s0 =	simm.s32 @!p1 $0x0  }
0x14: {  	s2 =	sld [smem:$0x3F9C];
	s0 =	simm.s32 @p1 $0x1  }
0x15: {  	[smem:$0x3FB9] =	sst s0;
	s0 =	simm.s32 @!p2 $0x0  }
0x16: {  	s3 =	sld [smem:$0x3FDB];
	s0 =	simm.s32 @p2 $0x1  }
0x17: {  	s4 =	simm.s32 $0x1BF5;
	[smem:$0x3FBB] =	sst s0  }
0x18: {  	s0 =	sld [smem:$0x3F9E];
	_ =	swait.ge [sflag:s4], $0x0  }
0x19: {  	s7 =	sld [smem:$0x3F9F]  }
0x1a: {  	s8 =	sadd.s32 $0xFFFFE003, lr  }
0x1b: {  	s9 =	sadd.s32 $0xFFFFFEF7, lr;
	s5 =	simm.s32 $0xFFFFFFFF;
	p2 =	slt.u32 s8, $0xFFFFF086  }
0x1c: {  	p1 =	slt.u32 s9, $0xF7A;
	s5 =	simm.s32 @!p2 $0x0  }
0x1d: {  	s5 =	simm.s32 @p1 $0x1;
	p0 =	seq.s32 s7, s2  }
0x1e: {  	s7 =	smul.u32 @!p0 $0xF7A, s2;
	p2 =	seq.s32 @!p0 s5, $0x0  }
0x1f: {  	s9 =	smul.u32 $0xF7A, s1;
	s8 =	simm.s32 @!p0 $0x1BF5;
	p2 =	por !p2, p0  }
0x20: {  	[sflag:s8] =	ssyncset.s32 @!p0 $0xFFFFF086;
	s6 =	sadd.s32 @!p0 s3, s7;
	s7 =	simm.s32 @!p0 $0x108  }
0x21: {  	s3 =	sadd.s32 s3, s9;
	s6 =	sadd.s32 @!p0 $0x88, s6;
	s7 =	simm.s32 @p2 $0x1082  }
0x22: {  	[simem:s7], [sflag:s8] =	dma.local @!p0 [hbm:s6], $0xF7A  }
0x23: {  	s9 =	sor.u32 $0xD0000000, s2;
	s6 =	simm.s32 $0x108;
	_ =	swait.ge @!p0 [sflag:s8], $0x0  }
0x24: {  	s3 =	sadd.s32 $0x88, s3;
	s6 =	simm.s32 @!p1 $0x1082;
	[sflag:s4] =	ssyncset.s32 $0xFFFFF086  }
0x25: {  	[simem:s6], [sflag:s4] =	dma.local [hbm:s3], $0xF7A  }
0x26: {  	[smem:$0x3F9F] =	sst s1;
	(tag) =	ssettag s2;
	_ =	strace s9  }
0x27: {  	s1 =	sld [smem:$0x3FAF]  }
0x28: {  	s2 =	sld [smem:$0x3FB0]  }
0x29: {  	s4 =	sld [smem:$0x3FB2]  }
0x2a: {  	p0 =	seq.s32 s5, $0x0;
	s5 =	sld [smem:$0x3FB3]  }
0x2b: {  	s6 =	sld [smem:$0x3FB4]  }
0x2c: {  	s7 =	sld [smem:$0x3FB5]  }
0x2d: {  	s3 =	simm.s32 $0x108;
	s8 =	sld [smem:$0x3FB6]  }
0x2e: {  	s3 =	simm.s32 @!p0 $0x1082;
	s9 =	sld [smem:$0x3FB7]  }
0x2f: {  	lr =	sadd.s32 s0, s3;
	s0 =	sld [smem:$0x3FAE]  }
0x30: {  	s3 =	sld [smem:$0x3FB1]  }
0x31: {  	[smem:$0x3FBA] =	sst s10  }
0x32: {  	s10 =	sld [smem:$0x3FB8];
	_ =	sdelay $0x3  }
0x33: {  	p0 =	seq.s32 s10, $0x1;
	s10 =	sld [smem:$0x3FBA];
	_ =	sdelay $0x3  }
0x34: {  	[smem:$0x3FBA] =	sst s10  }
0x35: {  	s10 =	sld [smem:$0x3FB9];
	_ =	sdelay $0x3  }
0x36: {  	p1 =	seq.s32 s10, $0x1;
	s10 =	sld [smem:$0x3FBA];
	_ =	sdelay $0x3  }
0x37: {  	[smem:$0x3FBA] =	sst s10  }
0x38: {  	s10 =	sld [smem:$0x3FBB]  }
0x39: {  	_ = 	snop;
	(pc) =	sbr.ind lr, $3  }
0x3a: {  	_ = 	snop  }
0x3b: {  	_ = 	snop  }
0x3c: {  	p2 =	seq.s32 s10, $0x1;
	s10 =	sld [smem:$0x3FBA]  }
0x3d: {  	_ =	shalt  }
0x3e: {  	_ =	shalt  }
0x3f: {  	_ =	shalt  }
0x40: {  	_ =	shalt  }
0x41: {  	_ =	shalt  }
0x42: {  	_ =	shalt  }
0x43: {  	_ =	shalt  }
0x44: {  	_ =	shalt  }
0x45: {  	_ =	shalt  }
0x46: {  	_ =	shalt  }
0x47: {  	_ =	shalt  }
0x48: {  	_ =	shalt  }
0x49: {  	_ =	shalt  }
0x4a: {  	_ =	shalt  }
0x4b: {  	_ =	shalt  }
0x4c: {  	_ =	shalt  }
0x4d: {  	_ =	shalt  }
0x4e: {  	_ =	shalt  }
0x4f: {  	_ =	shalt  }
0x50: {  	_ =	shalt  }
0x51: {  	_ =	shalt  }
0x52: {  	_ =	shalt  }
0x53: {  	_ =	shalt  }
0x54: {  	_ =	shalt  }
0x55: {  	_ =	shalt  }
0x56: {  	_ =	shalt  }
0x57: {  	_ =	shalt  }
0x58: {  	_ =	shalt  }
0x59: {  	_ =	shalt  }
0x5a: {  	_ =	shalt  }
0x5b: {  	_ =	shalt  }
0x5c: {  	_ =	shalt  }
0x5d: {  	_ =	shalt  }
0x5e: {  	_ =	shalt  }
0x5f: {  	_ =	shalt  }
0x60: {  	_ =	shalt  }
0x61: {  	_ =	shalt  }
0x62: {  	_ =	shalt  }
0x63: {  	_ =	shalt  }
0x64: {  	_ =	shalt  }
0x65: {  	_ =	shalt  }
0x66: {  	_ =	shalt  }
0x67: {  	_ =	shalt  }
0x68: {  	_ =	shalt  }
0x69: {  	_ =	shalt  }
0x6a: {  	_ =	shalt  }
0x6b: {  	_ =	shalt  }
0x6c: {  	_ =	shalt  }
0x6d: {  	_ =	shalt  }
0x6e: {  	_ =	shalt  }
0x6f: {  	_ =	shalt  }
0x70: {  	_ =	shalt  }
0x71: {  	_ =	shalt  }
0x72: {  	_ =	shalt  }
0x73: {  	_ =	shalt  }
0x74: {  	_ =	shalt  }
0x75: {  	_ =	shalt  }
0x76: {  	_ =	shalt  }
0x77: {  	_ =	shalt  }
0x78: {  	_ =	shalt  }
0x79: {  	_ =	shalt  }
0x7a: {  	_ =	shalt  }
0x7b: {  	_ =	shalt  }
0x7c: {  	_ =	shalt  }
0x7d: {  	_ =	shalt  }
0x7e: {  	_ =	shalt  }
0x7f: {  	_ =	shalt  }
0x80: {  	_ =	shalt  }
0x81: {  	_ =	shalt  }
0x82: {  	_ =	shalt  }
0x83: {  	_ =	shalt  }
0x84: {  	_ =	shalt  }
0x85: {  	_ =	shalt  }
0x86: {  	_ =	shalt  }
0x87: {  	_ =	shalt  }
.Lfunc_end0:
.L_simem_size_0:
called_computation_lowered:
.L_overlay_start_0:
0x88: {  	s2 =	sld [smem:$0x3FD9]  }
0x89: {  	s3 =	sld [smem:$0x3FFE];
	_ =	sdelay $0x1  }
0x8a: {  	s1 =	srdreg.scid  }
0x8b: {  	s0 =	sand.u32 $0x1, s1  }
0x8c: {  	s14 =	sshll.u32 s0, $0xA;
	s2 =	sadd.s32 s3, s2  }
0x8d: {  	s2 =	sadd.s32 s2, s14  }
0x8e: {  	[smem:$0x3FC6] =	sst s2  }
0x8f: {  	_ = 	snop  }
0x90: {  	s2 =	sld [smem:$0x3FD0];
	_ =	sdelay $0x2  }
0x91: {  	s4 =	simm.s32 $0xA;
	s5 =	simm.s32 $0x10;
	s15 =	sld [smem:$0x3FC8]  }
0x92: {  	[smem:s5], [sflag:s4] =	dma.local [hbm:s2], $0x1  }
0x93: {  	_ =	swait.eq [sflag:s4], $0x1  }
0x94: {  	[sflag:s4] =	ssyncset.done $0x0  }
0x95: {  	[sflag:s4] =	ssyncadd.s32 $0xFFFFFFFF  }
0x96: {  	s16 =	sld [smem:$0x11];
	(tm) =	ssettm $0x1  }
0x97: {  	s17 =	sld [smem:$0x3FFB];
	_ =	sdelay $0x3  }
0x98: {  	_ =	strace s17  }
0x99: {  	s4 =	sld [smem:$0x3FFC];
	_ =	sdelay $0x3  }
0x9a: {  	_ =	strace s4  }
0x9b: {  	s4 =	sld [smem:$0x3FFD];
	_ =	sdelay $0x3  }
0x9c: {  	_ =	strace s4  }
0x9d: {  	_ =	strace $0x8FFFFFFF  }
0x9e: {  	s18 =	sld [smem:$0x3FDB];
	_ =	sdelay $0x1  }
0x9f: {  	s19 =	simm.s32 $_scs_section_size  }
0xa0: {  	s6 =	simm.s32 $_size__tile_overlayer_lowered;
	s7 =	simm.s32 $_tile_overlayer_lowered  }
0xa1: {  	s22 =	simm.s32 $0x1BFF;
	s21 =	sshll.u32 s7, $0x1;
	s4 =	sadd.s32 s19, s18  }
0xa2: {  	s8 =	simm.s32 $0x0;
	s20 =	sshll.u32 s6, $0x1;
	s6 =	sadd.s32 s21, s4  }
0xa3: {  	[timem:s8], [sflag:s22] =	dma.local [hbm:s6], s20  }
0xa4: {  	_ =	swait.ge [sflag:s22], s20  }
0xa5: {  	s5 =	ssub.s32 $0x0, s20;
	[sflag:s22] =	ssyncset.done $0x0  }
0xa6: {  	[sflag:s22] =	ssyncadd.s32 s5;
	_ =	sdelay $0x1  }
0xa7: {  	s23 =	simm.s32 $0x1B8B  }
0xa8: {  	_ =	swait.ge [sflag:s23], $0x1  }
0xa9: {  	[sflag:s23] =	ssyncset.done $0x0  }
0xaa: {  	s25 =	simm.s32 $0x1B8E;
	s24 =	sld [smem:$0x3FFE];
	[sflag:s23] =	ssyncadd.s32 $0xFFFFFFFF  }
0xab: {  	s26 =	simm.s32 $execute0_lowered;
	[smem:$0x3FD2] =	sst s25  }
0xac: {  	s6 =	sshll.u32 s26, $0x1;
	_ =	strace $0x80000046;
	[dreg:$0x1] =	wrdreg $0xFFFFFFFF  }
0xad: {  	s28 =	simm.s32 $_size_execute0_lowered;
	s4 =	sadd.s32 s4, s6;
	[dreg:$0x0] =	wrdreg $0x0  }
0xae: {  	s6 =	sshll.u32 s28, $0x1;
	[dreg:$0x2] =	wrdreg s4  }
0xaf: {  	[dreg:$0x3] =	wrdreg s6  }
0xb0: {  	[dreg:$0x4] =	wrdreg $0xC0  }
0xb1: {  	_ =	task [dreg:s8], $0x5FFFF  }
0xb2: {  	[dreg:$0x1] =	wrdreg $0xFFFFFFFF  }
0xb3: {  	[dreg:$0x0] =	wrdreg $0x60  }
0xb4: {  	[dreg:$0x2] =	wrdreg s15  }
0xb5: {  	[dreg:$0x3] =	wrdreg s16  }
0xb6: {  	[dreg:$0x4] =	wrdreg s24  }
0xb7: {  	[dreg:$0x5] =	wrdreg $0x9  }
0xb8: {  	_ =	task.clear_ibuf [dreg:s8], $0x6FFFF;
	_ =	strace $0x90000046  }
0xb9: {  	s29 =	simm.s32 $0x9;
	_ =	strace $0x80000048  }
0xba: {  	_ =	swait.ge [sflag:s29], $0x1  }
0xbb: {  	[sflag:s29] =	ssyncadd.s32 $0xFFFFFFFF  }
0xbc: {  	_ =	strace $0x90000048  }
0xbd: {  	_ =	sfence  }
0xbe: {  	s30 =	sld [smem:$0x0];
	_ =	sdelay $0x2  }
0xbf: {  	s31 =	sshll.u32 s1, $0xD;
	s1 =	sshrl.u32 s1, $0x2  }
0xc0: {  	s3 =	sand.u32 $0x4000, s31;
	s1 =	sadd.s32 s1, s30  }
0xc1: {  	s0 =	sor.u32 s3, s0;
	s1 =	sshll.u32 s1, $0x11  }
0xc2: {  	s0 =	sor.u32 s1, s0  }
0xc3: {  	s0 =	sadd.s32 $0x8F2B, s0  }
0xc4: {  	[sflag:s0] =	ssyncadd.remote.s32 $0x1  }
0xc5: {  	_ =	sfence.sel $0xFFFF  }
0xc6: {  	[dreg:$0x0] =	wrdreg $0xFFFFFFFF;
	(pc) =	sbr.abs _section_cstart, $3  }
0xc7: {  	[dreg:$0x1] =	wrdreg $0xFFFFFFFF  }
0xc8: {  	_ =	task.clear_ibuf [dreg:s8], $0x2FFFF;
	_ =	strace $0x9FFFFFFF  }
0xc9: {  	(tm) =	ssettm $0x7FFFFFFF  }
tec
execute0_lowered:
.L_overlay_start_1:
0x0: {  	(tag) =	ssettag $0x1  }
0x1: {  	s1 =	rddreg [dreg:$0x0]  }
0x2: {  	s0 =	srdreg.scid;
	s4 =	simm.s32 $0x0;
	s5 =	stileid.u32  }
0x3: {  	s8 =	simm.s32 $0x2;
	s13 =	simm.s32 $0x1;
	s28 =	simm.s32 $0x5100  }
0x4: {  	s29 =	simm.s32 $0x5900;
	s30 =	simm.s32 $0x6100;
	s31 =	simm.s32 $0x6900  }
0x5: {  	s7 =	simm.s32 $0x8100;
	s9 =	simm.s32 $0x9900;
	s10 =	simm.s32 $0xA100  }
0x6: {  	s11 =	simm.s32 $0xA900;
	s12 =	simm.s32 $0xB100;
	s18 =	simm.s32 $0xB900  }
0x7: {  	s19 =	simm.s32 $0xC100;
	s20 =	simm.s32 $0xC900;
	s16 =	simm.s32 $0xD100  }
0x8: {  	s17 =	simm.s32 $0xD900;
	s21 =	simm.s32 $0xE100;
	s22 =	simm.s32 $0xE900  }
0x9: {  	s23 =	simm.s32 $0xF100;
	s24 =	simm.s32 $0xF900;
	s0 =	sand.u32 $0x1, s0  }
0xa: {  	[smem:$0x7FF] =	sst s4;
	s25 =	sshll.u32 s5, $0xA;
	s2 =	ssub.s32 $0x2, s0  }
0xb: {  	s5 =	simm.s32 $0x7900;
	s0 =	sshll.u32 s0, $0x9;
	s3 =	sshrl.u32 s2, $0x1  }
0xc: {  	v2 =	vlaneseq.u32;
	_ =	strace $0x80000047;
	s6 =	sor.u32 s0, s25;
	s2 =	ssub.s32 s2, s3  }
0xd: {  	vm0 =	vmmov $0xffff;
	v1 =	vshrl.u32 v2, $0x3;
	s0 =	simm.s32 $0x0;
	s3 =	simm.s32 $0x9100;
	s26 =	smax.u32 s2, $0x1  }
0xe: {  	v0 =	vand.u32 $0x7, v2;
	v2 =	vor.u32 $0x8, v2;
	v1 =	vmul.u32 $0x8, v1;
	s2 =	simm.s32 $0x8900;
	[dreg:$0x4] =	wrdreg s26;
	s26 =	simm.s32 $0x4900  }
.LBB2_1:
0xf: {  	[dreg:$0x5] =	wrdreg s0  }
0x10: {  	p0 =	por $0x1, $0x1;
	s15 =	simm.s32 $0x0;
	s0 =	simm.s32 $0x7100  }
.LBB2_2:
0x11: {  	s14 =	sor.u32 s6, s15  }
0x12: {  	s25 =	rddreg [dreg:$0x1];
	s15 =	sshrl.u32 s14, $0x3  }
0x13: {  	s15 =	sadd.s32 s25, s15  }
0x14: {  	[tilespmem:s4], [sflag:$0x2] =	stream.linear.gather [hbm4b:s15+s4], $0x100, $0x38;
	[tilespmem:$0x10100] =	vst v63  }
0x15: {  	_ =	swait.ge [sflag:s8], $0x100  }
0x16: {  	[sflag:s8] =	ssyncset.done $0x0  }
0x17: {  	[sflag:s8] =	ssyncadd.s32 $0xFFFFFF00  }
0x18: {  	v3 =	vld [tilespmem:$0x0];
	_ =	sdelay $0x4  }
0x19: {  	v4 =	vshll.u32 v3, $0x1  }
0x1a: {  	v3 =	vand.u32 $0x7, v3;
	v4 =	vand.u32 $0xFFFFFFF0, v4  }
0x1b: {  	v3 =	vor.u32 v3, v4  }
0x1c: {  	v4 =	vperm.xlane v3, v0;
	_ =	sdelay $0x1  }
0x1d: {  	v3 =	vperm.xlane v3, v2;
	v4 =	vadd.s32 v1, v4;
	_ =	sdelay $0x1  }
0x1e: {  	v3 =	vadd.s32 v1, v3;
	_ =	sdelay $0x1  }
0x1f: {  	s15 =	simm.s32 $0x100  }
0x20: {  	[tilespmem:s15], [sflag:$0x1] =	stream.indirect_vreg.gather [hbm4b:s1+s4], $0x80, v4, vm0, $0xb8;
	[tilespmem:$0x10100] =	vst v63  }
0x21: {  	s25 =	simm.s32 $0x900  }
0x22: {  	[tilespmem:s25], [sflag:$0x1] =	stream.indirect_vreg.gather [hbm4b:s1+s4], $0x80, v3, vm0, $0xb8;
	[tilespmem:$0x10100] =	vst v63  }
0x23: {  	v3 =	vld [tilespmem:$0x10];
	_ =	sdelay $0x4  }
0x24: {  	v49 =	vshll.u32 v3, $0x1  }
0x25: {  	v3 =	vand.u32 $0x7, v3;
	v4 =	vand.u32 $0xFFFFFFF0, v49  }
0x26: {  	v3 =	vor.u32 v3, v4  }
0x27: {  	v4 =	vperm.xlane v3, v0;
	_ =	sdelay $0x1  }
0x28: {  	v3 =	vperm.xlane v3, v2;
	v4 =	vadd.s32 v1, v4;
	_ =	sdelay $0x1  }
0x29: {  	v3 =	vadd.s32 v1, v3;
	_ =	sdelay $0x1  }
0x2a: {  	s25 =	simm.s32 $0x1100  }
0x2b: {  	[tilespmem:s25], [sflag:$0x1] =	stream.indirect_vreg.gather [hbm4b:s1+s4], $0x80, v4, vm0, $0xb8;
	[tilespmem:$0x10100] =	vst v63  }
0x2c: {  	s25 =	simm.s32 $0x1900  }
0x2d: {  	[tilespmem:s25], [sflag:$0x1] =	stream.indirect_vreg.gather [hbm4b:s1+s4], $0x80, v3, vm0, $0xb8;
	[tilespmem:$0x10100] =	vst v63  }
0x2e: {  	v3 =	vld [tilespmem:$0x20];
	_ =	sdelay $0x4  }
0x2f: {  	v50 =	vshll.u32 v3, $0x1  }
0x30: {  	v3 =	vand.u32 $0x7, v3;
	v4 =	vand.u32 $0xFFFFFFF0, v50  }
0x31: {  	v3 =	vor.u32 v3, v4  }
0x32: {  	v4 =	vperm.xlane v3, v0;
	_ =	sdelay $0x1  }
0x33: {  	v3 =	vperm.xlane v3, v2;
	v4 =	vadd.s32 v1, v4;
	_ =	sdelay $0x1  }
0x34: {  	v3 =	vadd.s32 v1, v3;
	_ =	sdelay $0x1  }
0x35: {  	s25 =	simm.s32 $0x2100  }
0x36: {  	[tilespmem:s25], [sflag:$0x1] =	stream.indirect_vreg.gather [hbm4b:s1+s4], $0x80, v4, vm0, $0xb8;
	[tilespmem:$0x10100] =	vst v63  }
0x37: {  	s25 =	simm.s32 $0x2900  }
0x38: {  	[tilespmem:s25], [sflag:$0x1] =	stream.indirect_vreg.gather [hbm4b:s1+s4], $0x80, v3, vm0, $0xb8;
	[tilespmem:$0x10100] =	vst v63  }
0x39: {  	v3 =	vld [tilespmem:$0x30];
	_ =	sdelay $0x4  }
0x3a: {  	v51 =	vshll.u32 v3, $0x1  }
0x3b: {  	v3 =	vand.u32 $0x7, v3;
	v4 =	vand.u32 $0xFFFFFFF0, v51  }
0x3c: {  	v3 =	vor.u32 v3, v4  }
0x3d: {  	v4 =	vperm.xlane v3, v0;
	_ =	sdelay $0x1  }
0x3e: {  	v3 =	vperm.xlane v3, v2;
	v4 =	vadd.s32 v1, v4;
	_ =	sdelay $0x1  }
0x3f: {  	v3 =	vadd.s32 v1, v3;
	_ =	sdelay $0x1  }
0x40: {  	s25 =	simm.s32 $0x3100  }
0x41: {  	[tilespmem:s25], [sflag:$0x1] =	stream.indirect_vreg.gather [hbm4b:s1+s4], $0x80, v4, vm0, $0xb8;
	[tilespmem:$0x10100] =	vst v63  }
0x42: {  	s25 =	simm.s32 $0x3900  }
0x43: {  	[tilespmem:s25], [sflag:$0x1] =	stream.indirect_vreg.gather [hbm4b:s1+s4], $0x80, v3, vm0, $0xb8;
	[tilespmem:$0x10100] =	vst v63  }
0x44: {  	v3 =	vld [tilespmem:$0x40];
	_ =	sdelay $0x4  }
0x45: {  	v52 =	vshll.u32 v3, $0x1  }
0x46: {  	v3 =	vand.u32 $0x7, v3;
	v4 =	vand.u32 $0xFFFFFFF0, v52  }
0x47: {  	v3 =	vor.u32 v3, v4  }
0x48: {  	v4 =	vperm.xlane v3, v0;
	_ =	sdelay $0x1  }
0x49: {  	v3 =	vperm.xlane v3, v2;
	v4 =	vadd.s32 v1, v4;
	_ =	sdelay $0x1  }
0x4a: {  	v3 =	vadd.s32 v1, v3;
	_ =	sdelay $0x1  }
0x4b: {  	s25 =	simm.s32 $0x4100  }
0x4c: {  	[tilespmem:s25], [sflag:$0x1] =	stream.indirect_vreg.gather [hbm4b:s1+s4], $0x80, v4, vm0, $0xb8;
	[tilespmem:$0x10100] =	vst v63  }
0x4d: {  	_ = 	snop  }
0x4e: {  	[tilespmem:s26], [sflag:$0x1] =	stream.indirect_vreg.gather [hbm4b:s1+s4], $0x80, v3, vm0, $0xb8;
	[tilespmem:$0x10100] =	vst v63  }
0x4f: {  	v3 =	vld [tilespmem:$0x50];
	_ =	sdelay $0x4  }
0x50: {  	v53 =	vshll.u32 v3, $0x1  }
0x51: {  	v3 =	vand.u32 $0x7, v3;
	v4 =	vand.u32 $0xFFFFFFF0, v53  }
0x52: {  	v3 =	vor.u32 v3, v4  }
0x53: {  	v4 =	vperm.xlane v3, v0;
	_ =	sdelay $0x1  }
0x54: {  	v3 =	vperm.xlane v3, v2;
	v4 =	vadd.s32 v1, v4;
	_ =	sdelay $0x1  }
0x55: {  	v3 =	vadd.s32 v1, v3;
	_ =	sdelay $0x2  }
0x56: {  	[tilespmem:s28], [sflag:$0x1] =	stream.indirect_vreg.gather [hbm4b:s1+s4], $0x80, v4, vm0, $0xb8;
	[tilespmem:$0x10100] =	vst v63  }
0x57: {  	_ = 	snop  }
0x58: {  	[tilespmem:s29], [sflag:$0x1] =	stream.indirect_vreg.gather [hbm4b:s1+s4], $0x80, v3, vm0, $0xb8;
	[tilespmem:$0x10100] =	vst v63  }
0x59: {  	v3 =	vld [tilespmem:$0x60];
	_ =	sdelay $0x4  }
0x5a: {  	v54 =	vshll.u32 v3, $0x1  }
0x5b: {  	v3 =	vand.u32 $0x7, v3;
	v4 =	vand.u32 $0xFFFFFFF0, v54  }
0x5c: {  	v3 =	vor.u32 v3, v4  }
0x5d: {  	v4 =	vperm.xlane v3, v0;
	_ =	sdelay $0x1  }
0x5e: {  	v3 =	vperm.xlane v3, v2;
	v4 =	vadd.s32 v1, v4;
	_ =	sdelay $0x1  }
0x5f: {  	v3 =	vadd.s32 v1, v3;
	_ =	sdelay $0x2  }
0x60: {  	[tilespmem:s30], [sflag:$0x1] =	stream.indirect_vreg.gather [hbm4b:s1+s4], $0x80, v4, vm0, $0xb8;
	[tilespmem:$0x10100] =	vst v63  }
0x61: {  	_ = 	snop  }
0x62: {  	[tilespmem:s31], [sflag:$0x1] =	stream.indirect_vreg.gather [hbm4b:s1+s4], $0x80, v3, vm0, $0xb8;
	[tilespmem:$0x10100] =	vst v63  }
0x63: {  	v3 =	vld [tilespmem:$0x70];
	_ =	sdelay $0x4  }
0x64: {  	v55 =	vshll.u32 v3, $0x1  }
0x65: {  	v3 =	vand.u32 $0x7, v3;
	v4 =	vand.u32 $0xFFFFFFF0, v55  }
0x66: {  	v3 =	vor.u32 v3, v4  }
0x67: {  	v4 =	vperm.xlane v3, v0;
	_ =	sdelay $0x1  }
0x68: {  	v3 =	vperm.xlane v3, v2;
	v4 =	vadd.s32 v1, v4;
	_ =	sdelay $0x1  }
0x69: {  	v3 =	vadd.s32 v1, v3;
	_ =	sdelay $0x2  }
0x6a: {  	[tilespmem:s0], [sflag:$0x1] =	stream.indirect_vreg.gather [hbm4b:s1+s4], $0x80, v4, vm0, $0xb8;
	[tilespmem:$0x10100] =	vst v63  }
0x6b: {  	_ = 	snop  }
0x6c: {  	[tilespmem:s5], [sflag:$0x1] =	stream.indirect_vreg.gather [hbm4b:s1+s4], $0x80, v3, vm0, $0xb8;
	[tilespmem:$0x10100] =	vst v63  }
0x6d: {  	v3 =	vld [tilespmem:$0x80];
	_ =	sdelay $0x4  }
0x6e: {  	v56 =	vshll.u32 v3, $0x1  }
0x6f: {  	v3 =	vand.u32 $0x7, v3;
	v4 =	vand.u32 $0xFFFFFFF0, v56  }
0x70: {  	v3 =	vor.u32 v3, v4  }
0x71: {  	v4 =	vperm.xlane v3, v0;
	_ =	sdelay $0x1  }
0x72: {  	v3 =	vperm.xlane v3, v2;
	v4 =	vadd.s32 v1, v4;
	_ =	sdelay $0x1  }
0x73: {  	v3 =	vadd.s32 v1, v3;
	_ =	sdelay $0x2  }
0x74: {  	[tilespmem:s7], [sflag:$0x1] =	stream.indirect_vreg.gather [hbm4b:s1+s4], $0x80, v4, vm0, $0xb8;
	[tilespmem:$0x10100] =	vst v63  }
0x75: {  	_ = 	snop  }
0x76: {  	[tilespmem:s2], [sflag:$0x1] =	stream.indirect_vreg.gather [hbm4b:s1+s4], $0x80, v3, vm0, $0xb8;
	[tilespmem:$0x10100] =	vst v63  }
0x77: {  	v3 =	vld [tilespmem:$0x90];
	_ =	sdelay $0x4  }
0x78: {  	v57 =	vshll.u32 v3, $0x1  }
0x79: {  	v3 =	vand.u32 $0x7, v3;
	v4 =	vand.u32 $0xFFFFFFF0, v57  }
0x7a: {  	v3 =	vor.u32 v3, v4  }
0x7b: {  	v4 =	vperm.xlane v3, v0;
	_ =	sdelay $0x1  }
0x7c: {  	v3 =	vperm.xlane v3, v2;
	v4 =	vadd.s32 v1, v4;
	_ =	sdelay $0x1  }
0x7d: {  	v3 =	vadd.s32 v1, v3;
	_ =	sdelay $0x2  }
0x7e: {  	[tilespmem:s3], [sflag:$0x1] =	stream.indirect_vreg.gather [hbm4b:s1+s4], $0x80, v4, vm0, $0xb8;
	[tilespmem:$0x10100] =	vst v63  }
0x7f: {  	_ = 	snop  }
0x80: {  	[tilespmem:s9], [sflag:$0x1] =	stream.indirect_vreg.gather [hbm4b:s1+s4], $0x80, v3, vm0, $0xb8;
	[tilespmem:$0x10100] =	vst v63  }
0x81: {  	v3 =	vld [tilespmem:$0xA0];
	_ =	sdelay $0x4  }
0x82: {  	v58 =	vshll.u32 v3, $0x1  }
0x83: {  	v3 =	vand.u32 $0x7, v3;
	v4 =	vand.u32 $0xFFFFFFF0, v58  }
0x84: {  	v3 =	vor.u32 v3, v4  }
0x85: {  	v4 =	vperm.xlane v3, v0;
	_ =	sdelay $0x1  }
0x86: {  	v3 =	vperm.xlane v3, v2;
	v4 =	vadd.s32 v1, v4;
	_ =	sdelay $0x1  }
0x87: {  	v3 =	vadd.s32 v1, v3;
	_ =	sdelay $0x2  }
0x88: {  	[tilespmem:s10], [sflag:$0x1] =	stream.indirect_vreg.gather [hbm4b:s1+s4], $0x80, v4, vm0, $0xb8;
	[tilespmem:$0x10100] =	vst v63  }
0x89: {  	_ = 	snop  }
0x8a: {  	[tilespmem:s11], [sflag:$0x1] =	stream.indirect_vreg.gather [hbm4b:s1+s4], $0x80, v3, vm0, $0xb8;
	[tilespmem:$0x10100] =	vst v63  }
0x8b: {  	v3 =	vld [tilespmem:$0xB0];
	_ =	sdelay $0x4  }
0x8c: {  	v59 =	vshll.u32 v3, $0x1  }
0x8d: {  	v3 =	vand.u32 $0x7, v3;
	v4 =	vand.u32 $0xFFFFFFF0, v59  }
0x8e: {  	v3 =	vor.u32 v3, v4  }
0x8f: {  	v4 =	vperm.xlane v3, v0;
	_ =	sdelay $0x1  }
0x90: {  	v3 =	vperm.xlane v3, v2;
	v4 =	vadd.s32 v1, v4;
	_ =	sdelay $0x1  }
0x91: {  	v3 =	vadd.s32 v1, v3;
	_ =	sdelay $0x2  }
0x92: {  	[tilespmem:s12], [sflag:$0x1] =	stream.indirect_vreg.gather [hbm4b:s1+s4], $0x80, v4, vm0, $0xb8;
	[tilespmem:$0x10100] =	vst v63  }
0x93: {  	_ = 	snop  }
0x94: {  	[tilespmem:s18], [sflag:$0x1] =	stream.indirect_vreg.gather [hbm4b:s1+s4], $0x80, v3, vm0, $0xb8;
	[tilespmem:$0x10100] =	vst v63  }
0x95: {  	v3 =	vld [tilespmem:$0xC0];
	_ =	sdelay $0x4  }
0x96: {  	v60 =	vshll.u32 v3, $0x1  }
0x97: {  	v3 =	vand.u32 $0x7, v3;
	v4 =	vand.u32 $0xFFFFFFF0, v60  }
0x98: {  	v3 =	vor.u32 v3, v4  }
0x99: {  	v4 =	vperm.xlane v3, v0;
	_ =	sdelay $0x1  }
0x9a: {  	v3 =	vperm.xlane v3, v2;
	v4 =	vadd.s32 v1, v4;
	_ =	sdelay $0x1  }
0x9b: {  	v3 =	vadd.s32 v1, v3;
	_ =	sdelay $0x2  }
0x9c: {  	[tilespmem:s19], [sflag:$0x1] =	stream.indirect_vreg.gather [hbm4b:s1+s4], $0x80, v4, vm0, $0xb8;
	[tilespmem:$0x10100] =	vst v63  }
0x9d: {  	_ = 	snop  }
0x9e: {  	[tilespmem:s20], [sflag:$0x1] =	stream.indirect_vreg.gather [hbm4b:s1+s4], $0x80, v3, vm0, $0xb8;
	[tilespmem:$0x10100] =	vst v63  }
0x9f: {  	v3 =	vld [tilespmem:$0xD0];
	_ =	sdelay $0x4  }
0xa0: {  	v61 =	vshll.u32 v3, $0x1  }
0xa1: {  	v3 =	vand.u32 $0x7, v3;
	v4 =	vand.u32 $0xFFFFFFF0, v61  }
0xa2: {  	v3 =	vor.u32 v3, v4  }
0xa3: {  	v4 =	vperm.xlane v3, v0;
	_ =	sdelay $0x1  }
0xa4: {  	v3 =	vperm.xlane v3, v2;
	v4 =	vadd.s32 v1, v4;
	_ =	sdelay $0x1  }
0xa5: {  	v3 =	vadd.s32 v1, v3;
	_ =	sdelay $0x2  }
0xa6: {  	[tilespmem:s16], [sflag:$0x1] =	stream.indirect_vreg.gather [hbm4b:s1+s4], $0x80, v4, vm0, $0xb8;
	[tilespmem:$0x10100] =	vst v63  }
0xa7: {  	_ = 	snop  }
0xa8: {  	[tilespmem:s17], [sflag:$0x1] =	stream.indirect_vreg.gather [hbm4b:s1+s4], $0x80, v3, vm0, $0xb8;
	[tilespmem:$0x10100] =	vst v63  }
0xa9: {  	v3 =	vld [tilespmem:$0xE0];
	_ =	sdelay $0x4  }
0xaa: {  	v62 =	vshll.u32 v3, $0x1  }
0xab: {  	v3 =	vand.u32 $0x7, v3;
	v4 =	vand.u32 $0xFFFFFFF0, v62  }
0xac: {  	v3 =	vor.u32 v3, v4  }
0xad: {  	v4 =	vperm.xlane v3, v0;
	_ =	sdelay $0x1  }
0xae: {  	v3 =	vperm.xlane v3, v2;
	v4 =	vadd.s32 v1, v4;
	_ =	sdelay $0x1  }
0xaf: {  	v3 =	vadd.s32 v1, v3;
	_ =	sdelay $0x2  }
0xb0: {  	[tilespmem:s21], [sflag:$0x1] =	stream.indirect_vreg.gather [hbm4b:s1+s4], $0x80, v4, vm0, $0xb8;
	[tilespmem:$0x10100] =	vst v63  }
0xb1: {  	_ = 	snop  }
0xb2: {  	[tilespmem:s22], [sflag:$0x1] =	stream.indirect_vreg.gather [hbm4b:s1+s4], $0x80, v3, vm0, $0xb8;
	[tilespmem:$0x10100] =	vst v63  }
0xb3: {  	v3 =	vld [tilespmem:$0xF0];
	_ =	sdelay $0x4  }
0xb4: {  	v63 =	vshll.u32 v3, $0x1  }
0xb5: {  	v3 =	vand.u32 $0x7, v3;
	v4 =	vand.u32 $0xFFFFFFF0, v63  }
0xb6: {  	v3 =	vor.u32 v3, v4  }
0xb7: {  	v4 =	vperm.xlane v3, v0;
	_ =	sdelay $0x1  }
0xb8: {  	v3 =	vperm.xlane v3, v2;
	v4 =	vadd.s32 v1, v4;
	_ =	sdelay $0x1  }
0xb9: {  	v3 =	vadd.s32 v1, v3;
	_ =	sdelay $0x2  }
0xba: {  	[tilespmem:s23], [sflag:$0x1] =	stream.indirect_vreg.gather [hbm4b:s1+s4], $0x80, v4, vm0, $0xb8;
	[tilespmem:$0x10100] =	vst v63  }
0xbb: {  	_ = 	snop  }
0xbc: {  	[tilespmem:s24], [sflag:$0x1] =	stream.indirect_vreg.gather [hbm4b:s1+s4], $0x80, v3, vm0, $0xb8;
	[tilespmem:$0x10100] =	vst v63  }
0xbd: {  	_ =	swait.ge [sflag:s13], $0x10000  }
0xbe: {  	[sflag:s13] =	ssyncset.done $0x0  }
0xbf: {  	[sflag:s13] =	ssyncadd.s32 $0xFFFF0000  }
0xc0: {  	p1 =	por p0, p0;
	s14 =	sshll.u32 s14, $0x5;
	s25 =	rddreg [dreg:$0x2]  }
.Ltmp0:
0xc1: {  	s14 =	sadd.s32 s25, s14;
	(pc) =	sbr.rel @p1 .LBB2_2-.Ltmp0, $4  }
0xc2: {  	[hbm4b:s14+s4] =	stream.linear.scatter [tilespmem:s15], [sflag:$0x2], $0x10000, $0x38;
	[tilespmem:$0x10100] =	vst v63  }
0xc3: {  	_ =	swait.ge [sflag:s8], $0x10000  }
0xc4: {  	[sflag:s8] =	ssyncset.done $0x0  }
0xc5: {  	p0 =	por $0x0, $0x0;
	[sflag:s8] =	ssyncadd.s32 $0xFFFF0000  }
0xc6: {  	s0 =	rddreg [dreg:$0x5]  }
0xc7: {  	s14 =	rddreg [dreg:$0x4];
	s0 =	sadd.s32 $0x1, s0  }
0xc8: {  	p0 =	sne.s32 s0, s14  }
.Ltmp1:
0xc9: {  	_ = 	snop;
	(pc) =	sbr.rel @p0 .LBB2_1-.Ltmp1, $1  }
0xca: {  	_ =	sdelay $0x3  }
0xcb: {  	_ =	sfence.sel $0x180000  }
0xcc: {  	[bflag:$0x0] =	sbarrier.arrive $0xFFFF  }
0xcd: {  	_ =	strace $0x90000047  }
0xce: {  	s0 =	stileid.u32;
	[bflag:$0x2] =	sbarrier.arrive $0xFFFF  }
0xcf: {  	p0 =	sne.s32 s0, $0x0;
	s0 =	rddreg [dreg:$0x3]  }
0xd0: {  	s0 =	sadd.s32 @!p0 $0x100000, s0  }
0xd1: {  	[sflag:s0] =	ssyncadd.tile.s32 @!p0 $0x1;
	_ =	shalt  }
.Lfunc_end2:
_tile_overlayer_lowered:
.L_overlay_start_2:
0xd2: {  	(tag) =	ssettag $0x2  }
0xd3: {  	s0 =	rddreg [dreg:$0x0];
	s2 =	stileid.u32  }
0xd4: {  	s1 =	rddreg [dreg:$0x1];
	p0 =	sne.s32 s2, $0x0  }
0xd5: {  	s3 =	rddreg [dreg:$0x2];
	[bflag:$0x3] =	sbarrier.arrive $0xFFFF;
	s2 =	simm.s32 @!p0 $0x1C02  }
0xd6: {  	[timem:s3], [sflag:s2] =	dma.local @!p0 [hbm:s0], s1  }
0xd7: {  	s0 =	simm.s32 @!p0 $0x2  }
0xd8: {  	_ =	swait.ge @!p0 [sflag:s0], s1  }
0xd9: {  	s1 =	ssub.s32 @!p0 $0x0, s1;
	[sflag:s0] =	ssyncset.done @!p0 $0x0  }
0xda: {  	[sflag:s0] =	ssyncadd.s32 @!p0 s1  }
0xdb: {  	[bflag:$0x3] =	sbarrier.arrive $0xFFFF  }
0xdc: {  	_ =	shalt  }

</sc_bundles>
